<compile_context>
chip_gen: v7x
topology: tpu7x:2x2x1
jax: 0.10.2.dev20260603
libtpu: 0.0.44.dev20260713+nightly
codegen_flags: <defaults>
</compile_context>

<pallas_src>
import functools

import jax
import jax.numpy as jnp
from jax import lax
from jax.experimental import pallas as pl
from jax.experimental.pallas import tpu as pltpu
from jax.experimental.pallas import tpu_sc as plsc

NUM_EMB = 8192
DIM = 64
M_TILE = 1024
N_TILE = 4096


def _argmin_body(z3_ref, cb_ref, out_ref, val_ref, zn_ref, cn_ref, rows_ref):
    m = pl.program_id(0)
    j = pl.program_id(1)

    zT = z3_ref[0]
    cb = cb_ref[...]
    cb2 = cb + cb

    @pl.when(j == 0)
    def _():
        val_ref[...] = jnp.full_like(val_ref, jnp.inf)
        zn_ref[...] = jnp.sum(zT * zT, axis=0, keepdims=True)

    @pl.when(m == 0)
    def _():
        cn_ref[pl.ds(pl.multiple_of(j * N_TILE, N_TILE), N_TILE), :] = (
            0.25 * jnp.sum(cb2 * cb2, axis=1, keepdims=True))

    @pl.when(jnp.logical_and(m == 0, j == 0))
    def _():
        riota = lax.broadcasted_iota(jnp.int32, (N_TILE, 1), 0)
        rows_ref[...] = riota.astype(jnp.float32)

    s2 = lax.dot_general(cb2.astype(jnp.bfloat16), zT.astype(jnp.bfloat16),
                         dimension_numbers=(((1,), (0,)), ((), ())),
                         preferred_element_type=jnp.float32)
    zn = zn_ref[...]
    cn = cn_ref[pl.ds(pl.multiple_of(j * N_TILE, N_TILE), N_TILE), :]
    d = (zn - s2) + cn
    v = jnp.min(d, axis=0, keepdims=True)
    rows = rows_ref[...]
    ii_f = jnp.min(jnp.where(d == v, rows, float(N_TILE)),
                   axis=0, keepdims=True)
    ii = ii_f.astype(jnp.int32) + j * N_TILE
    bv = val_ref[...]
    upd = v < bv
    val_ref[...] = jnp.where(upd, v, bv)
    @pl.when(j == 0)
    def _():
        out_ref[0] = ii
    @pl.when(j > 0)
    def _():
        out_ref[0] = jnp.where(upd, ii, out_ref[0])


def _argmin_indices(z3, codebook):
    m_blocks = z3.shape[0]
    n_blocks = NUM_EMB // N_TILE
    grid = (m_blocks, n_blocks)
    return pl.pallas_call(
        _argmin_body,
        grid=grid,
        in_specs=[
            pl.BlockSpec((1, DIM, M_TILE), lambda m, j: (m, 0, 0)),
            pl.BlockSpec((N_TILE, DIM), lambda m, j: (j, 0)),
        ],
        out_specs=pl.BlockSpec((1, 1, M_TILE), lambda m, j: (m, 0, 0)),
        out_shape=jax.ShapeDtypeStruct((m_blocks, 1, M_TILE), jnp.int32),
        scratch_shapes=[
            pltpu.VMEM((1, M_TILE), jnp.float32),
            pltpu.VMEM((1, M_TILE), jnp.float32),
            pltpu.VMEM((NUM_EMB, 1), jnp.float32),
            pltpu.VMEM((N_TILE, 1), jnp.float32),
        ],
    )(z3, codebook)


def _make_gather(batch, width):
    info = plsc.get_sparse_core_info()
    nw = info.num_cores * info.num_subcores
    b_per_w = batch // nw
    mesh = plsc.VectorSubcoreMesh(core_axis_name="c", subcore_axis_name="s")

    @functools.partial(
        pl.kernel,
        out_type=jax.ShapeDtypeStruct((batch, width), jnp.float32),
        mesh=mesh,
        scratch_types=[
            pltpu.VMEM((b_per_w,), jnp.int32),
            pltpu.VMEM((b_per_w, width), jnp.float32),
            pltpu.SemaphoreType.DMA,
        ],
    )
    def gather(table_hbm, idx_hbm, out_hbm, idx_v, rows_v, sem):
        wid = lax.axis_index("s") * info.num_cores + lax.axis_index("c")
        base = wid * b_per_w
        pltpu.sync_copy(idx_hbm.at[pl.ds(base, b_per_w)], idx_v)
        pltpu.async_copy(table_hbm.at[idx_v], rows_v, sem).wait()
        pltpu.sync_copy(rows_v, out_hbm.at[pl.ds(base, b_per_w)])

    return gather


def kernel(z_e, codebook):
    b, c, h, w = z_e.shape
    batch = b * h * w
    z3 = z_e.reshape(b, c, h * w)

    idx3 = _argmin_indices(z3, codebook)
    indices = idx3.reshape(batch)

    cb_pad = jnp.pad(codebook, ((0, 0), (0, 128 - DIM)))
    zq_pad = _make_gather(batch, 128)(cb_pad, indices)
    z_q = jnp.transpose(zq_pad.reshape(b, h, w, 128)[..., :DIM], (0, 3, 1, 2))
    return (z_q, z_q, indices)

# --- scband reference (transcript-rebuilt; emitter-appended) ---
"""Pipeline reference for scband-vector-quantizer-33827162423415 (READ-ONLY COPY).

The authoritative reference and input builder live on the scoring server;
editing this copy changes nothing except your own understanding.
"""

import jax, jax.numpy as jnp
import numpy as np

NUM_EMBEDDINGS = 8192
EMBEDDING_DIM = 64


def setup_inputs(seed: int = 0) -> dict:
    key = jax.random.key(seed)
    k1, k2 = jax.random.split(key)
    z_e = jax.random.normal(k1, (16, 64, 32, 32), dtype=jnp.float32)
    codebook = jax.random.uniform(
        k2, (NUM_EMBEDDINGS, EMBEDDING_DIM), dtype=jnp.float32,
        minval=-1.0 / NUM_EMBEDDINGS, maxval=1.0 / NUM_EMBEDDINGS)
    return {"z_e": z_e, "codebook": codebook}


def reference(z_e, codebook):
    # z_e: [B, C, H, W] -> [B, H, W, C]
    z = jnp.transpose(z_e, (0, 2, 3, 1))
    z_flat = z.reshape(-1, EMBEDDING_DIM)
    # squared L2 distances to each codebook vector
    distances = (jnp.sum(z_flat ** 2, axis=1, keepdims=True)
                 - 2.0 * jnp.matmul(z_flat, codebook.T)
                 + jnp.sum(codebook ** 2, axis=1))
    indices = jnp.argmin(distances, axis=1)
    z_q_flat = jnp.take(codebook, indices, axis=0)
    z_q = z_q_flat.reshape(z.shape)
    z_q_ste = z + jax.lax.stop_gradient(z_q - z)
    z_q_ste = jnp.transpose(z_q_ste, (0, 3, 1, 2))
    z_q = jnp.transpose(z_q, (0, 3, 1, 2))
    return (z_q_ste, z_q, indices)

if __name__ == "__main__":
    import jax
    _d = setup_inputs()
    print(jax.jit(kernel)(*tuple(_d.values())))

</pallas_src>

<mosaic_0001>
#map = affine_map<(d0, d1) -> (0, 0)>
#map1 = affine_map<(d0, d1) -> (0)>
module attributes {stable_mosaic.version = 14 : i64} {
  func.func @gather(%arg0: i32, %arg1: i32, %arg2: memref<8192x128xf32, #tpu.memory_space<hbm>>, %arg3: memref<16384xi32, #tpu.memory_space<hbm>>, %arg4: memref<16384x128xf32, #tpu.memory_space<hbm>>, %arg5: memref<512xi32, #tpu.memory_space<vmem>>, %arg6: memref<512x128xf32, #tpu.memory_space<vmem>>, %arg7: memref<!tpu.dma_semaphore, #tpu.memory_space<semaphore_mem>>) attributes {dimension_semantics = [#tpu.dimension_semantics<core_parallel>, #tpu.dimension_semantics<subcore_parallel>], iteration_bounds = array<i64: 2, 16>, scalar_prefetch = 0 : i64, scratch_operands = 3 : i64, tpu.core_type = #tpu.core_type<sc_vector_subcore>, window_params = [{transform_indices = #map}, {transform_indices = #map1}, {transform_indices = #map}]} {
    %mul3A = arith.constant 2 : i32
    %mul3A_0 = arith.muli %arg1, %mul3A : i32
    %add3A = arith.addi %mul3A_0, %arg0 : i32
    %mul3A_1 = arith.constant 512 : i32
    %mul3A_2 = arith.muli %add3A, %mul3A_1 : i32
    "tpu.region"() ({
      %run_scoped3A = tpu.sem_alloc : memref<!tpu.dma_semaphore, #tpu.memory_space<semaphore_mem>>
      %dma_start3A_7 = tpu.memref_slice %arg3[%mul3A_2] : memref<16384xi32, #tpu.memory_space<hbm>> -> memref<512xi32, #tpu.memory_space<hbm>>
      %dma_start3A_8 = tpu.memref_slice %arg3[%mul3A_2] : memref<16384xi32, #tpu.memory_space<hbm>> -> memref<512xi32, #tpu.memory_space<hbm>>
      tpu.enqueue_dma source(%dma_start3A_8 : memref<512xi32, #tpu.memory_space<hbm>>) target(%arg5 : memref<512xi32, #tpu.memory_space<vmem>>) target_semaphore(%run_scoped3A : memref<!tpu.dma_semaphore, #tpu.memory_space<semaphore_mem>>)
      %dma_wait3A_9 = tpu.memref_slice %arg3[%mul3A_2] : memref<16384xi32, #tpu.memory_space<hbm>> -> memref<512xi32, #tpu.memory_space<hbm>>
      %dma_wait3A_10 = tpu.memref_slice %arg3[%mul3A_2] : memref<16384xi32, #tpu.memory_space<hbm>> -> memref<512xi32, #tpu.memory_space<hbm>>
      tpu.wait_dma2 semaphore(%run_scoped3A : memref<!tpu.dma_semaphore, #tpu.memory_space<semaphore_mem>>) src(%dma_wait3A_10 : memref<512xi32, #tpu.memory_space<hbm>>) dst(%arg5 : memref<512xi32, #tpu.memory_space<vmem>>)
      tpu.yield
    }) : () -> ()
    %dma_start3A = arith.constant 0 : i32
    %dma_start3A_3 = arith.constant 0 : i32
    %dma_start3A_4 = tpu.memref_slice %arg2[%dma_start3A, %dma_start3A_3] : memref<8192x128xf32, #tpu.memory_space<hbm>> -> memref<8192x128xf32, #tpu.memory_space<hbm>>
    tpu.enqueue_indirect_dma source(%dma_start3A_4 : memref<8192x128xf32, #tpu.memory_space<hbm>>) target(%arg6 : memref<512x128xf32, #tpu.memory_space<vmem>>) offsets(%arg5 : memref<512xi32, #tpu.memory_space<vmem>>) semaphore(%arg7 : memref<!tpu.dma_semaphore, #tpu.memory_space<semaphore_mem>>)
    %dma_wait3A = arith.constant 0 : i32
    %dma_wait3A_5 = arith.constant 0 : i32
    %dma_wait3A_6 = tpu.memref_slice %arg2[%dma_wait3A, %dma_wait3A_5] : memref<8192x128xf32, #tpu.memory_space<hbm>> -> memref<8192x128xf32, #tpu.memory_space<hbm>>
    tpu.wait_indirect_dma semaphore(%arg7 : memref<!tpu.dma_semaphore, #tpu.memory_space<semaphore_mem>>) src(%dma_wait3A_6 : memref<8192x128xf32, #tpu.memory_space<hbm>>) dst(%arg6 : memref<512x128xf32, #tpu.memory_space<vmem>>)
    "tpu.region"() ({
      %run_scoped3A = tpu.sem_alloc : memref<!tpu.dma_semaphore, #tpu.memory_space<semaphore_mem>>
      %dma_start3A_7 = arith.constant 0 : i32
      %dma_start3A_8 = tpu.memref_slice %arg4[%mul3A_2, %dma_start3A_7] : memref<16384x128xf32, #tpu.memory_space<hbm>> -> memref<512x128xf32, #tpu.memory_space<hbm>>
      %dma_start3A_9 = arith.constant 0 : i32
      %dma_start3A_10 = tpu.memref_slice %arg4[%mul3A_2, %dma_start3A_9] : memref<16384x128xf32, #tpu.memory_space<hbm>> -> memref<512x128xf32, #tpu.memory_space<hbm>>
      tpu.enqueue_dma source(%arg6 : memref<512x128xf32, #tpu.memory_space<vmem>>) target(%dma_start3A_10 : memref<512x128xf32, #tpu.memory_space<hbm>>) target_semaphore(%run_scoped3A : memref<!tpu.dma_semaphore, #tpu.memory_space<semaphore_mem>>)
      %dma_wait3A_11 = arith.constant 0 : i32
      %dma_wait3A_12 = tpu.memref_slice %arg4[%mul3A_2, %dma_wait3A_11] : memref<16384x128xf32, #tpu.memory_space<hbm>> -> memref<512x128xf32, #tpu.memory_space<hbm>>
      %dma_wait3A_13 = arith.constant 0 : i32
      %dma_wait3A_14 = tpu.memref_slice %arg4[%mul3A_2, %dma_wait3A_13] : memref<16384x128xf32, #tpu.memory_space<hbm>> -> memref<512x128xf32, #tpu.memory_space<hbm>>
      tpu.wait_dma2 semaphore(%run_scoped3A : memref<!tpu.dma_semaphore, #tpu.memory_space<semaphore_mem>>) src(%arg6 : memref<512x128xf32, #tpu.memory_space<vmem>>) dst(%dma_wait3A_14 : memref<512x128xf32, #tpu.memory_space<hbm>>)
      tpu.yield
    }) : () -> ()
    return
  }
}

module attributes {stable_mosaic.version = 14 : i64} {
  func.func @_argmin_body(%arg0: i32, %arg1: i32, %arg2: memref<1x64x1024xf32, #tpu.memory_space<vmem>>, %arg3: memref<4096x64xf32, #tpu.memory_space<vmem>>, %arg4: memref<1x1x1024xi32, #tpu.memory_space<vmem>>, %arg5: memref<1x1024xf32, #tpu.memory_space<vmem>>, %arg6: memref<1x1024xf32, #tpu.memory_space<vmem>>, %arg7: memref<8192x1xf32, #tpu.memory_space<vmem>>, %arg8: memref<4096x1xf32, #tpu.memory_space<vmem>>) attributes {dimension_semantics = [#tpu.dimension_semantics<arbitrary>, #tpu.dimension_semantics<arbitrary>], iteration_bounds = array<i64: 16, 2>, scalar_prefetch = 0 : i64, scratch_operands = 4 : i64, tpu.core_type = #tpu.core_type<tc>, window_params = [{transform_indices = @transform_0, window_bounds = array<i64: 1, 64, 1024>}, {transform_indices = @transform_1, window_bounds = array<i64: 4096, 64>}, {transform_indices = @transform_2, window_bounds = array<i64: 1, 1, 1024>}]} {
    %get3A = arith.constant 0 : index
    %get3A_0 = arith.constant 0 : index
    %get3A_1 = arith.constant 0 : index
    %get3A_2 = vector.load %arg2[%get3A, %get3A_0, %get3A_1] : memref<1x64x1024xf32, #tpu.memory_space<vmem>>, vector<1x64x1024xf32>
    %get3A_3 = vector.shape_cast %get3A_2 : vector<1x64x1024xf32> to vector<64x1024xf32>
    %get3A_4 = arith.constant 0 : index
    %get3A_5 = arith.constant 0 : index
    %get3A_6 = vector.load %arg3[%get3A_4, %get3A_5] : memref<4096x64xf32, #tpu.memory_space<vmem>>, vector<4096x64xf32>
    %add3A = arith.addf %get3A_6, %get3A_6 : vector<4096x64xf32>
    %eq3A = arith.constant 0 : i32
    %eq3A_7 = arith.cmpi eq, %arg1, %eq3A : i32
    %convert_element_type3A = arith.extui %eq3A_7 : i1 to i32
    %cond3A = arith.constant 0 : i32
    %cond3A_8 = arith.cmpi ne, %convert_element_type3A, %cond3A : i32
    scf.if %cond3A_8 {
      %broadcast_in_dim3A_66 = arith.constant 0x7F800000 : f32
      %broadcast_in_dim3A_67 = vector.broadcast %broadcast_in_dim3A_66 : f32 to vector<1x1024xf32>
      %swap3A_68 = arith.constant 0 : index
      %swap3A_69 = arith.constant 0 : index
      %swap3A_70 = vector.load %arg5[%swap3A_68, %swap3A_69] : memref<1x1024xf32, #tpu.memory_space<vmem>>, vector<1x1024xf32>
      tpu.vector_store %arg5[%swap3A_68, %swap3A_69], %broadcast_in_dim3A_67 {strides = array<i32>} : memref<1x1024xf32, #tpu.memory_space<vmem>>, vector<1x1024xf32>,
      %mul3A_71 = arith.mulf %get3A_3, %get3A_3 : vector<64x1024xf32>
      %reduce_sum3A = arith.constant dense<0.000000e+00> : vector<1024xf32>
      %reduce_sum3A_72 = vector.multi_reduction <add>, %mul3A_71, %reduce_sum3A [0] : vector<64x1024xf32> to vector<1024xf32>
      %broadcast_in_dim3A_73 = vector.shape_cast %reduce_sum3A_72 : vector<1024xf32> to vector<1x1024xf32>
      %swap3A_74 = arith.constant 0 : index
      %swap3A_75 = arith.constant 0 : index
      %swap3A_76 = vector.load %arg6[%swap3A_74, %swap3A_75] : memref<1x1024xf32, #tpu.memory_space<vmem>>, vector<1x1024xf32>
      tpu.vector_store %arg6[%swap3A_74, %swap3A_75], %broadcast_in_dim3A_73 {strides = array<i32>} : memref<1x1024xf32, #tpu.memory_space<vmem>>, vector<1x1024xf32>,
    } else {
    }
    %eq3A_9 = arith.constant 0 : i32
    %eq3A_10 = arith.cmpi eq, %arg0, %eq3A_9 : i32
    %convert_element_type3A_11 = arith.extui %eq3A_10 : i1 to i32
    %cond3A_12 = arith.constant 0 : i32
    %cond3A_13 = arith.cmpi ne, %convert_element_type3A_11, %cond3A_12 : i32
    scf.if %cond3A_13 {
      %mul3A_66 = arith.mulf %add3A, %add3A : vector<4096x64xf32>
      %reduce_sum3A = arith.constant dense<0.000000e+00> : vector<4096xf32>
      %reduce_sum3A_67 = vector.multi_reduction <add>, %mul3A_66, %reduce_sum3A [1] : vector<4096x64xf32> to vector<4096xf32>
      %broadcast_in_dim3A_68 = vector.shape_cast %reduce_sum3A_67 : vector<4096xf32> to vector<4096x1xf32>
      %mul3A_69 = arith.constant 2.500000e-01 : f32
      %mul3A_70 = vector.broadcast %mul3A_69 : f32 to vector<4096x1xf32>
      %mul3A_71 = arith.mulf %mul3A_70, %broadcast_in_dim3A_68 : vector<4096x1xf32>
      %mul3A_72 = arith.constant 4096 : i32
      %mul3A_73 = arith.muli %arg1, %mul3A_72 : i32
      %multiple_of3A_74 = tpu.assume_multiple %mul3A_73, 4096 : i32
      %swap3A_75 = arith.index_cast %multiple_of3A_74 : i32 to index
      %swap3A_76 = arith.constant 0 : index
      %swap3A_77 = vector.load %arg7[%swap3A_75, %swap3A_76] : memref<8192x1xf32, #tpu.memory_space<vmem>>, vector<4096x1xf32>
      tpu.vector_store %arg7[%swap3A_75, %swap3A_76], %mul3A_71 {strides = array<i32>} : memref<8192x1xf32, #tpu.memory_space<vmem>>, vector<4096x1xf32>,
    } else {
    }
    %eq3A_14 = arith.constant 0 : i32
    %eq3A_15 = arith.cmpi eq, %arg0, %eq3A_14 : i32
    %eq3A_16 = arith.constant 0 : i32
    %eq3A_17 = arith.cmpi eq, %arg1, %eq3A_16 : i32
    %and3A = arith.andi %eq3A_15, %eq3A_17 : i1
    %convert_element_type3A_18 = arith.extui %and3A : i1 to i32
    %cond3A_19 = arith.constant 0 : i32
    %cond3A_20 = arith.cmpi ne, %convert_element_type3A_18, %cond3A_19 : i32
    scf.if %cond3A_20 {
      %iota3A = tpu.iota {dimensions = array<i32: 0>} : vector<4096x1xi32>
      %convert_element_type3A_66 = arith.sitofp %iota3A : vector<4096x1xi32> to vector<4096x1xf32>
      %swap3A_67 = arith.constant 0 : index
      %swap3A_68 = arith.constant 0 : index
      %swap3A_69 = vector.load %arg8[%swap3A_67, %swap3A_68] : memref<4096x1xf32, #tpu.memory_space<vmem>>, vector<4096x1xf32>
      tpu.vector_store %arg8[%swap3A_67, %swap3A_68], %convert_element_type3A_66 {strides = array<i32>} : memref<4096x1xf32, #tpu.memory_space<vmem>>, vector<4096x1xf32>,
    } else {
    }
    %convert_element_type3A_21 = arith.truncf %add3A : vector<4096x64xf32> to vector<4096x64xbf16>
    %convert_element_type3A_22 = arith.truncf %get3A_3 : vector<64x1024xf32> to vector<64x1024xbf16>
    %dot_general3A = arith.constant dense<0.000000e+00> : vector<4096x1024xf32>
    %dot_general3A_23 = tpu.matmul %convert_element_type3A_21, %convert_element_type3A_22, %dot_general3A {dimension_numbers = #tpu.dot_dimension_numbers<[1], [0], [0], [1], [0, 0, 1, 1], [], []>, transpose_lhs_hint = false} : vector<4096x64xbf16>, vector<64x1024xbf16>, vector<4096x1024xf32> -> vector<4096x1024xf32>
    %get3A_24 = arith.constant 0 : index
    %get3A_25 = arith.constant 0 : index
    %get3A_26 = vector.load %arg6[%get3A_24, %get3A_25] : memref<1x1024xf32, #tpu.memory_space<vmem>>, vector<1x1024xf32>
    %mul3A = arith.constant 4096 : i32
    %mul3A_27 = arith.muli %arg1, %mul3A : i32
    %multiple_of3A = tpu.assume_multiple %mul3A_27, 4096 : i32
    %get3A_28 = arith.index_cast %multiple_of3A : i32 to index
    %get3A_29 = arith.constant 0 : index
    %get3A_30 = vector.load %arg7[%get3A_28, %get3A_29] : memref<8192x1xf32, #tpu.memory_space<vmem>>, vector<4096x1xf32>
    %sub3A = vector.broadcast %get3A_26 : vector<1x1024xf32> to vector<4096x1024xf32>
    %sub3A_31 = arith.subf %sub3A, %dot_general3A_23 : vector<4096x1024xf32>
    %add3A_32 = vector.broadcast %get3A_30 : vector<4096x1xf32> to vector<4096x1024xf32>
    %add3A_33 = arith.addf %sub3A_31, %add3A_32 : vector<4096x1024xf32>
    %reduce_min3A = arith.constant dense<0x7F800000> : vector<1024xf32>
    %reduce_min3A_34 = vector.multi_reduction <minimumf>, %add3A_33, %reduce_min3A [0] : vector<4096x1024xf32> to vector<1024xf32>
    %broadcast_in_dim3A = vector.shape_cast %reduce_min3A_34 : vector<1024xf32> to vector<1x1024xf32>
    %get3A_35 = arith.constant 0 : index
    %get3A_36 = arith.constant 0 : index
    %get3A_37 = vector.load %arg8[%get3A_35, %get3A_36] : memref<4096x1xf32, #tpu.memory_space<vmem>>, vector<4096x1xf32>
    %eq3A_38 = vector.broadcast %broadcast_in_dim3A : vector<1x1024xf32> to vector<4096x1024xf32>
    %eq3A_39 = arith.cmpf oeq, %add3A_33, %eq3A_38 : vector<4096x1024xf32>
    %jit3A = arith.constant 4.096000e+03 : f32
    %broadcast_in_dim3A_40 = vector.shape_cast %get3A_37 : vector<4096x1xf32> to vector<4096x1xf32>
    %broadcast_in_dim3A_41 = vector.broadcast %broadcast_in_dim3A_40 : vector<4096x1xf32> to vector<4096x1024xf32>
    %broadcast_in_dim3A_42 = vector.broadcast %jit3A : f32 to vector<4096x1024xf32>
    %select_n3A = arith.select %eq3A_39, %broadcast_in_dim3A_41, %broadcast_in_dim3A_42 : vector<4096x1024xi1>, vector<4096x1024xf32>
    %reduce_min3A_43 = arith.constant dense<0x7F800000> : vector<1024xf32>
    %reduce_min3A_44 = vector.multi_reduction <minimumf>, %select_n3A, %reduce_min3A_43 [0] : vector<4096x1024xf32> to vector<1024xf32>
    %broadcast_in_dim3A_45 = vector.shape_cast %reduce_min3A_44 : vector<1024xf32> to vector<1x1024xf32>
    %convert_element_type3A_46 = arith.fptosi %broadcast_in_dim3A_45 : vector<1x1024xf32> to vector<1x1024xi32>
    %mul3A_47 = arith.constant 4096 : i32
    %mul3A_48 = arith.muli %arg1, %mul3A_47 : i32
    %add3A_49 = vector.broadcast %mul3A_48 : i32 to vector<1x1024xi32>
    %add3A_50 = arith.addi %convert_element_type3A_46, %add3A_49 : vector<1x1024xi32>
    %get3A_51 = arith.constant 0 : index
    %get3A_52 = arith.constant 0 : index
    %get3A_53 = vector.load %arg5[%get3A_51, %get3A_52] : memref<1x1024xf32, #tpu.memory_space<vmem>>, vector<1x1024xf32>
    %lt3A = arith.cmpf olt, %broadcast_in_dim3A, %get3A_53 : vector<1x1024xf32>
    %select_n3A_54 = arith.select %lt3A, %broadcast_in_dim3A, %get3A_53 : vector<1x1024xi1>, vector<1x1024xf32>
    %swap3A = arith.constant 0 : index
    %swap3A_55 = arith.constant 0 : index
    %swap3A_56 = vector.load %arg5[%swap3A, %swap3A_55] : memref<1x1024xf32, #tpu.memory_space<vmem>>, vector<1x1024xf32>
    tpu.vector_store %arg5[%swap3A, %swap3A_55], %select_n3A_54 {strides = array<i32>} : memref<1x1024xf32, #tpu.memory_space<vmem>>, vector<1x1024xf32>,
    %eq3A_57 = arith.constant 0 : i32
    %eq3A_58 = arith.cmpi eq, %arg1, %eq3A_57 : i32
    %convert_element_type3A_59 = arith.extui %eq3A_58 : i1 to i32
    %cond3A_60 = arith.constant 0 : i32
    %cond3A_61 = arith.cmpi ne, %convert_element_type3A_59, %cond3A_60 : i32
    scf.if %cond3A_61 {
      %swap3A_66 = arith.constant 0 : index
      %swap3A_67 = arith.constant 0 : index
      %swap3A_68 = arith.constant 0 : index
      %swap3A_69 = vector.load %arg4[%swap3A_66, %swap3A_67, %swap3A_68] : memref<1x1x1024xi32, #tpu.memory_space<vmem>>, vector<1x1x1024xi32>
      %swap3A_70 = vector.shape_cast %swap3A_69 : vector<1x1x1024xi32> to vector<1x1024xi32>
      %swap3A_71 = vector.shape_cast %add3A_50 : vector<1x1024xi32> to vector<1x1x1024xi32>
      tpu.vector_store %arg4[%swap3A_66, %swap3A_67, %swap3A_68], %swap3A_71 {strides = array<i32>} : memref<1x1x1024xi32, #tpu.memory_space<vmem>>, vector<1x1x1024xi32>,
    } else {
    }
    %gt3A = arith.constant 0 : i32
    %gt3A_62 = arith.cmpi sgt, %arg1, %gt3A : i32
    %convert_element_type3A_63 = arith.extui %gt3A_62 : i1 to i32
    %cond3A_64 = arith.constant 0 : i32
    %cond3A_65 = arith.cmpi ne, %convert_element_type3A_63, %cond3A_64 : i32
    scf.if %cond3A_65 {
      %get3A_66 = arith.constant 0 : index
      %get3A_67 = arith.constant 0 : index
      %get3A_68 = arith.constant 0 : index
      %get3A_69 = vector.load %arg4[%get3A_66, %get3A_67, %get3A_68] : memref<1x1x1024xi32, #tpu.memory_space<vmem>>, vector<1x1x1024xi32>
      %get3A_70 = vector.shape_cast %get3A_69 : vector<1x1x1024xi32> to vector<1x1024xi32>
      %select_n3A_71 = arith.select %lt3A, %add3A_50, %get3A_70 : vector<1x1024xi1>, vector<1x1024xi32>
      %swap3A_72 = arith.constant 0 : index
      %swap3A_73 = arith.constant 0 : index
      %swap3A_74 = arith.constant 0 : index
      %swap3A_75 = vector.load %arg4[%swap3A_72, %swap3A_73, %swap3A_74] : memref<1x1x1024xi32, #tpu.memory_space<vmem>>, vector<1x1x1024xi32>
      %swap3A_76 = vector.shape_cast %swap3A_75 : vector<1x1x1024xi32> to vector<1x1024xi32>
      %swap3A_77 = vector.shape_cast %select_n3A_71 : vector<1x1024xi32> to vector<1x1x1024xi32>
      tpu.vector_store %arg4[%swap3A_72, %swap3A_73, %swap3A_74], %swap3A_77 {strides = array<i32>} : memref<1x1x1024xi32, #tpu.memory_space<vmem>>, vector<1x1x1024xi32>,
    } else {
    }
    return
  }
  func.func @transform_0(%arg0: i32, %arg1: i32) -> (i32, i32, i32) {
    %c0_i32 = arith.constant 0 : i32
    %c0_i32_0 = arith.constant 0 : i32
    %c0_i32_1 = arith.constant 0 : i32
    return %arg0, %c0_i32, %c0_i32_0 : i32, i32, i32
  }
  func.func @transform_1(%arg0: i32, %arg1: i32) -> (i32, i32) {
    %c0_i32 = arith.constant 0 : i32
    %c0_i32_0 = arith.constant 0 : i32
    return %arg1, %c0_i32 : i32, i32
  }
  func.func @transform_2(%arg0: i32, %arg1: i32) -> (i32, i32, i32) {
    %c0_i32 = arith.constant 0 : i32
    %c0_i32_0 = arith.constant 0 : i32
    %c0_i32_1 = arith.constant 0 : i32
    return %arg0, %c0_i32, %c0_i32_0 : i32, i32, i32
  }
}

</mosaic_0001>

<sc_bundles>
// kernel: kernel.4.cloned.1.call-start
scs
__scs_entry_jumppad:
0x0: {  	(pc) =	sbr.rel $0x88, $3  }
0x1: {  	(tag) =	ssettag $0x0;
	lr =	simm.s32 $0x1  }
0x2: {  	[smem:$0x3F9F] =	sst lr;
	_ =	strace $0xD0000000  }
0x3: {  	_ = 	snop  }
0x4: {  	_ = 	snop  }
0x5: {  	_ = 	snop  }
0x6: {  	_ = 	snop  }
0x7: {  	_ = 	snop  }
__scs_overlays_trampoline_lowered:
0x8: {  	[smem:$0x3FAE] =	sst s0  }
0x9: {  	[smem:$0x3FAF] =	sst s1  }
0xa: {  	[smem:$0x3FB0] =	sst s2  }
0xb: {  	[smem:$0x3FB1] =	sst s3  }
0xc: {  	[smem:$0x3FB2] =	sst s4  }
0xd: {  	[smem:$0x3FB3] =	sst s5  }
0xe: {  	[smem:$0x3FB4] =	sst s6  }
0xf: {  	[smem:$0x3FB5] =	sst s7  }
0x10: {  	[smem:$0x3FB6] =	sst s8  }
0x11: {  	[smem:$0x3FB7] =	sst s9;
	s0 =	simm.s32 @!p0 $0x0  }
0x12: {  	s1 =	sld [smem:$0x3F9D];
	s0 =	simm.s32 @p0 $0x1  }
0x13: {  	[smem:$0x3FB8] =	sst s0;
	s0 =	simm.s32 @!p1 $0x0  }
0x14: {  	s2 =	sld [smem:$0x3F9C];
	s0 =	simm.s32 @p1 $0x1  }
0x15: {  	[smem:$0x3FB9] =	sst s0;
	s0 =	simm.s32 @!p2 $0x0  }
0x16: {  	s3 =	sld [smem:$0x3FDB];
	s0 =	simm.s32 @p2 $0x1  }
0x17: {  	s4 =	simm.s32 $0x1BF5;
	[smem:$0x3FBB] =	sst s0  }
0x18: {  	s0 =	sld [smem:$0x3F9E];
	_ =	swait.ge [sflag:s4], $0x0  }
0x19: {  	s7 =	sld [smem:$0x3F9F]  }
0x1a: {  	s8 =	sadd.s32 $0xFFFFE003, lr  }
0x1b: {  	s9 =	sadd.s32 $0xFFFFFEF7, lr;
	s5 =	simm.s32 $0xFFFFFFFF;
	p2 =	slt.u32 s8, $0xFFFFF086  }
0x1c: {  	p1 =	slt.u32 s9, $0xF7A;
	s5 =	simm.s32 @!p2 $0x0  }
0x1d: {  	s5 =	simm.s32 @p1 $0x1;
	p0 =	seq.s32 s7, s2  }
0x1e: {  	s7 =	smul.u32 @!p0 $0xF7A, s2;
	p2 =	seq.s32 @!p0 s5, $0x0  }
0x1f: {  	s9 =	smul.u32 $0xF7A, s1;
	s8 =	simm.s32 @!p0 $0x1BF5;
	p2 =	por !p2, p0  }
0x20: {  	[sflag:s8] =	ssyncset.s32 @!p0 $0xFFFFF086;
	s6 =	sadd.s32 @!p0 s3, s7;
	s7 =	simm.s32 @!p0 $0x108  }
0x21: {  	s3 =	sadd.s32 s3, s9;
	s6 =	sadd.s32 @!p0 $0x88, s6;
	s7 =	simm.s32 @p2 $0x1082  }
0x22: {  	[simem:s7], [sflag:s8] =	dma.local @!p0 [hbm:s6], $0xF7A  }
0x23: {  	s9 =	sor.u32 $0xD0000000, s2;
	s6 =	simm.s32 $0x108;
	_ =	swait.ge @!p0 [sflag:s8], $0x0  }
0x24: {  	s3 =	sadd.s32 $0x88, s3;
	s6 =	simm.s32 @!p1 $0x1082;
	[sflag:s4] =	ssyncset.s32 $0xFFFFF086  }
0x25: {  	[simem:s6], [sflag:s4] =	dma.local [hbm:s3], $0xF7A  }
0x26: {  	[smem:$0x3F9F] =	sst s1;
	(tag) =	ssettag s2;
	_ =	strace s9  }
0x27: {  	s1 =	sld [smem:$0x3FAF]  }
0x28: {  	s2 =	sld [smem:$0x3FB0]  }
0x29: {  	s4 =	sld [smem:$0x3FB2]  }
0x2a: {  	p0 =	seq.s32 s5, $0x0;
	s5 =	sld [smem:$0x3FB3]  }
0x2b: {  	s6 =	sld [smem:$0x3FB4]  }
0x2c: {  	s7 =	sld [smem:$0x3FB5]  }
0x2d: {  	s3 =	simm.s32 $0x108;
	s8 =	sld [smem:$0x3FB6]  }
0x2e: {  	s3 =	simm.s32 @!p0 $0x1082;
	s9 =	sld [smem:$0x3FB7]  }
0x2f: {  	lr =	sadd.s32 s0, s3;
	s0 =	sld [smem:$0x3FAE]  }
0x30: {  	s3 =	sld [smem:$0x3FB1]  }
0x31: {  	[smem:$0x3FBA] =	sst s10  }
0x32: {  	s10 =	sld [smem:$0x3FB8];
	_ =	sdelay $0x3  }
0x33: {  	p0 =	seq.s32 s10, $0x1;
	s10 =	sld [smem:$0x3FBA];
	_ =	sdelay $0x3  }
0x34: {  	[smem:$0x3FBA] =	sst s10  }
0x35: {  	s10 =	sld [smem:$0x3FB9];
	_ =	sdelay $0x3  }
0x36: {  	p1 =	seq.s32 s10, $0x1;
	s10 =	sld [smem:$0x3FBA];
	_ =	sdelay $0x3  }
0x37: {  	[smem:$0x3FBA] =	sst s10  }
0x38: {  	s10 =	sld [smem:$0x3FBB]  }
0x39: {  	_ = 	snop;
	(pc) =	sbr.ind lr, $3  }
0x3a: {  	_ = 	snop  }
0x3b: {  	_ = 	snop  }
0x3c: {  	p2 =	seq.s32 s10, $0x1;
	s10 =	sld [smem:$0x3FBA]  }
0x3d: {  	_ =	shalt  }
0x3e: {  	_ =	shalt  }
0x3f: {  	_ =	shalt  }
0x40: {  	_ =	shalt  }
0x41: {  	_ =	shalt  }
0x42: {  	_ =	shalt  }
0x43: {  	_ =	shalt  }
0x44: {  	_ =	shalt  }
0x45: {  	_ =	shalt  }
0x46: {  	_ =	shalt  }
0x47: {  	_ =	shalt  }
0x48: {  	_ =	shalt  }
0x49: {  	_ =	shalt  }
0x4a: {  	_ =	shalt  }
0x4b: {  	_ =	shalt  }
0x4c: {  	_ =	shalt  }
0x4d: {  	_ =	shalt  }
0x4e: {  	_ =	shalt  }
0x4f: {  	_ =	shalt  }
0x50: {  	_ =	shalt  }
0x51: {  	_ =	shalt  }
0x52: {  	_ =	shalt  }
0x53: {  	_ =	shalt  }
0x54: {  	_ =	shalt  }
0x55: {  	_ =	shalt  }
0x56: {  	_ =	shalt  }
0x57: {  	_ =	shalt  }
0x58: {  	_ =	shalt  }
0x59: {  	_ =	shalt  }
0x5a: {  	_ =	shalt  }
0x5b: {  	_ =	shalt  }
0x5c: {  	_ =	shalt  }
0x5d: {  	_ =	shalt  }
0x5e: {  	_ =	shalt  }
0x5f: {  	_ =	shalt  }
0x60: {  	_ =	shalt  }
0x61: {  	_ =	shalt  }
0x62: {  	_ =	shalt  }
0x63: {  	_ =	shalt  }
0x64: {  	_ =	shalt  }
0x65: {  	_ =	shalt  }
0x66: {  	_ =	shalt  }
0x67: {  	_ =	shalt  }
0x68: {  	_ =	shalt  }
0x69: {  	_ =	shalt  }
0x6a: {  	_ =	shalt  }
0x6b: {  	_ =	shalt  }
0x6c: {  	_ =	shalt  }
0x6d: {  	_ =	shalt  }
0x6e: {  	_ =	shalt  }
0x6f: {  	_ =	shalt  }
0x70: {  	_ =	shalt  }
0x71: {  	_ =	shalt  }
0x72: {  	_ =	shalt  }
0x73: {  	_ =	shalt  }
0x74: {  	_ =	shalt  }
0x75: {  	_ =	shalt  }
0x76: {  	_ =	shalt  }
0x77: {  	_ =	shalt  }
0x78: {  	_ =	shalt  }
0x79: {  	_ =	shalt  }
0x7a: {  	_ =	shalt  }
0x7b: {  	_ =	shalt  }
0x7c: {  	_ =	shalt  }
0x7d: {  	_ =	shalt  }
0x7e: {  	_ =	shalt  }
0x7f: {  	_ =	shalt  }
0x80: {  	_ =	shalt  }
0x81: {  	_ =	shalt  }
0x82: {  	_ =	shalt  }
0x83: {  	_ =	shalt  }
0x84: {  	_ =	shalt  }
0x85: {  	_ =	shalt  }
0x86: {  	_ =	shalt  }
0x87: {  	_ =	shalt  }
.Lfunc_end0:
.L_simem_size_0:
called_computation_lowered:
.L_overlay_start_0:
0x88: {  	s2 =	sld [smem:$0x3FD9]  }
0x89: {  	s3 =	sld [smem:$0x3FFE];
	_ =	sdelay $0x1  }
0x8a: {  	s1 =	srdreg.scid  }
0x8b: {  	s0 =	sand.u32 $0x1, s1  }
0x8c: {  	s15 =	sshll.u32 s0, $0xA;
	s2 =	sadd.s32 s3, s2  }
0x8d: {  	s2 =	sadd.s32 s2, s15  }
0x8e: {  	[smem:$0x3FC6] =	sst s2  }
0x8f: {  	_ = 	snop  }
0x90: {  	s2 =	sld [smem:$0x3FD0];
	_ =	sdelay $0x2  }
0x91: {  	s16 =	simm.s32 $0xA;
	s4 =	simm.s32 $0x10  }
0x92: {  	[smem:s4], [sflag:s16] =	dma.local [hbm:s2], $0x1  }
0x93: {  	_ =	swait.eq [sflag:s16], $0x1  }
0x94: {  	s17 =	sld [smem:$0x10];
	[sflag:s16] =	ssyncset.done $0x0  }
0x95: {  	s18 =	sld [smem:$0x11];
	[sflag:s16] =	ssyncadd.s32 $0xFFFFFFFF  }
0x96: {  	s19 =	sld [smem:$0x12];
	(tm) =	ssettm $0x1  }
0x97: {  	s5 =	sld [smem:$0x3FFB];
	_ =	sdelay $0x3  }
0x98: {  	_ =	strace s5  }
0x99: {  	s5 =	sld [smem:$0x3FFC];
	_ =	sdelay $0x3  }
0x9a: {  	_ =	strace s5  }
0x9b: {  	s5 =	sld [smem:$0x3FFD];
	_ =	sdelay $0x3  }
0x9c: {  	_ =	strace s5  }
0x9d: {  	_ =	strace $0x8FFFFFFF  }
0x9e: {  	s20 =	sld [smem:$0x3FDB];
	_ =	sdelay $0x1  }
0x9f: {  	s6 =	simm.s32 $_scs_section_size  }
0xa0: {  	s7 =	simm.s32 $_size__tile_overlayer_lowered;
	s8 =	simm.s32 $_tile_overlayer_lowered  }
0xa1: {  	s23 =	simm.s32 $0x1BFF;
	s22 =	sshll.u32 s8, $0x1;
	s5 =	sadd.s32 s6, s20  }
0xa2: {  	s9 =	simm.s32 $0x0;
	s21 =	sshll.u32 s7, $0x1;
	s7 =	sadd.s32 s22, s5  }
0xa3: {  	[timem:s9], [sflag:s23] =	dma.local [hbm:s7], s21  }
0xa4: {  	_ =	swait.ge [sflag:s23], s21  }
0xa5: {  	s6 =	ssub.s32 $0x0, s21;
	[sflag:s23] =	ssyncset.done $0x0  }
0xa6: {  	[sflag:s23] =	ssyncadd.s32 s6;
	_ =	sdelay $0x1  }
0xa7: {  	s24 =	simm.s32 $0x1B8B  }
0xa8: {  	_ =	swait.ge [sflag:s24], $0x1  }
0xa9: {  	[sflag:s24] =	ssyncset.done $0x0  }
0xaa: {  	s25 =	simm.s32 $0x1B8E;
	[sflag:s24] =	ssyncadd.s32 $0xFFFFFFFF  }
0xab: {  	s26 =	simm.s32 $execute0_lowered;
	[smem:$0x3FD2] =	sst s25  }
0xac: {  	s6 =	sshll.u32 s26, $0x1;
	_ =	strace $0x80000046;
	[dreg:$0x1] =	wrdreg $0xFFFFFFFF  }
0xad: {  	s28 =	simm.s32 $_size_execute0_lowered;
	s5 =	sadd.s32 s5, s6;
	[dreg:$0x0] =	wrdreg $0x0  }
0xae: {  	s6 =	sshll.u32 s28, $0x1;
	[dreg:$0x2] =	wrdreg s5  }
0xaf: {  	[dreg:$0x3] =	wrdreg s6  }
0xb0: {  	[dreg:$0x4] =	wrdreg $0xC0  }
0xb1: {  	_ =	task [dreg:s9], $0x5FFFF  }
0xb2: {  	[dreg:$0x1] =	wrdreg $0xFFFFFFFF  }
0xb3: {  	[dreg:$0x0] =	wrdreg $0x60  }
0xb4: {  	[dreg:$0x2] =	wrdreg s17  }
0xb5: {  	[dreg:$0x3] =	wrdreg s19  }
0xb6: {  	[dreg:$0x4] =	wrdreg s18  }
0xb7: {  	[dreg:$0x5] =	wrdreg $0x9  }
0xb8: {  	_ =	task.clear_ibuf [dreg:s9], $0x6FFFF;
	_ =	strace $0x90000046  }
0xb9: {  	s29 =	simm.s32 $0x9;
	_ =	strace $0x80000048  }
0xba: {  	_ =	swait.ge [sflag:s29], $0x1  }
0xbb: {  	[sflag:s29] =	ssyncadd.s32 $0xFFFFFFFF  }
0xbc: {  	_ =	strace $0x90000048  }
0xbd: {  	_ =	sfence  }
0xbe: {  	s30 =	sld [smem:$0x0];
	_ =	sdelay $0x2  }
0xbf: {  	s31 =	sshll.u32 s1, $0xD;
	s1 =	sshrl.u32 s1, $0x2  }
0xc0: {  	s3 =	sand.u32 $0x4000, s31;
	s1 =	sadd.s32 s1, s30  }
0xc1: {  	s0 =	sor.u32 s3, s0;
	s1 =	sshll.u32 s1, $0x11  }
0xc2: {  	s0 =	sor.u32 s1, s0  }
0xc3: {  	s0 =	sadd.s32 $0x8F2B, s0  }
0xc4: {  	[sflag:s0] =	ssyncadd.remote.s32 $0x1  }
0xc5: {  	_ =	sfence.sel $0xFFFF  }
0xc6: {  	[dreg:$0x0] =	wrdreg $0xFFFFFFFF;
	(pc) =	sbr.abs _section_cstart, $3  }
0xc7: {  	[dreg:$0x1] =	wrdreg $0xFFFFFFFF  }
0xc8: {  	_ =	task.clear_ibuf [dreg:s9], $0x2FFFF;
	_ =	strace $0x9FFFFFFF  }
0xc9: {  	(tm) =	ssettm $0x7FFFFFFF  }
tec
execute0_lowered:
.L_overlay_start_1:
0x0: {  	(tag) =	ssettag $0x1  }
0x1: {  	s1 =	rddreg [dreg:$0x0]  }
0x2: {  	s2 =	srdreg.scid;
	s4 =	rddreg [dreg:$0x1]  }
0x3: {  	s0 =	stileid.u32;
	s8 =	rddreg [dreg:$0x2];
	s6 =	sand.u32 $0x1, s2  }
0x4: {  	s3 =	simm.s32 $0x0;
	s5 =	sshll.u32 s0, $0xA;
	s7 =	sshll.u32 s6, $0x9  }
0x5: {  	[smem:$0x7FF] =	sst s3;
	s9 =	sor.u32 s7, s5  }
0x6: {  	s2 =	rddreg [dreg:$0x3];
	_ =	strace $0x80000047;
	s5 =	sshrl.u32 s9, $0x3  }
0x7: {  	s10 =	ssub.s32 $0x2, s6;
	s5 =	sadd.s32 s4, s5;
	s4 =	simm.s32 $0x2  }
0x8: {  	[tilespmem:s3], [sflag:$0x2] =	stream.linear.gather [hbm4b:s5+s3], $0x200, $0x38;
	[tilespmem:$0x10200] =	vst v63  }
0x9: {  	s11 =	sshrl.u32 s10, $0x1;
	_ =	swait.ge [sflag:s4], $0x200  }
0xa: {  	s6 =	simm.s32 $0x200;
	s10 =	ssub.s32 s10, s11;
	[sflag:s4] =	ssyncset.done $0x0  }
0xb: {  	s7 =	simm.s32 $0x1;
	s31 =	smax.u32 s10, $0x1;
	[sflag:s4] =	ssyncadd.s32 $0xFFFFFE00  }
0xc: {  	[tilespmem:s6], [sflag:$0x1] =	stream.indirect.gather [hbm4b:s1+s6], $0x80, s3, s6, $0xb8;
	[tilespmem:$0x10200] =	vst v63  }
0xd: {  	p0 =	sne.s32 s31, $0x1;
	_ =	swait.ge [sflag:s7], $0x10000  }
.Ltmp0:
0xe: {  	s9 =	sshll.u32 s9, $0x4;
	[sflag:s7] =	ssyncset.done $0x0;
	(pc) =	sbr.rel @!p0 .LBB2_2-.Ltmp0, $4  }
0xf: {  	s8 =	sadd.s32 s8, s9;
	[sflag:s7] =	ssyncadd.s32 $0xFFFF0000  }
0x10: {  	[hbm4b:s8+s3] =	stream.linear.scatter [tilespmem:s6], [sflag:$0x2], $0x10000, $0x38;
	[tilespmem:$0x10200] =	vst v63  }
0x11: {  	_ =	swait.ge [sflag:s4], $0x10000  }
0x12: {  	s9 =	sadd.s32 $0xFFFFFFFF, s31;
	[sflag:s4] =	ssyncset.done $0x0  }
.LBB2_1:
0x13: {  	p0 =	sne.s32 s9, $0x1;
	s9 =	sadd.s32 $0xFFFFFFFF, s9;
	[sflag:s4] =	ssyncadd.s32 $0xFFFF0000  }
0x14: {  	[tilespmem:s3], [sflag:$0x2] =	stream.linear.gather [hbm4b:s5+s3], $0x200, $0x38;
	[tilespmem:$0x10200] =	vst v63  }
0x15: {  	_ =	swait.ge [sflag:s4], $0x200  }
0x16: {  	[sflag:s4] =	ssyncset.done $0x0  }
0x17: {  	[sflag:s4] =	ssyncadd.s32 $0xFFFFFE00  }
0x18: {  	[tilespmem:s6], [sflag:$0x1] =	stream.indirect.gather [hbm4b:s1+s6], $0x80, s3, s6, $0xb8;
	[tilespmem:$0x10200] =	vst v63  }
0x19: {  	_ =	swait.ge [sflag:s7], $0x10000  }
.Ltmp1:
0x1a: {  	[sflag:s7] =	ssyncset.done $0x0;
	(pc) =	sbr.rel @p0 .LBB2_1-.Ltmp1, $4  }
0x1b: {  	[sflag:s7] =	ssyncadd.s32 $0xFFFF0000  }
0x1c: {  	[hbm4b:s8+s3] =	stream.linear.scatter [tilespmem:s6], [sflag:$0x2], $0x10000, $0x38;
	[tilespmem:$0x10200] =	vst v63  }
0x1d: {  	_ =	swait.ge [sflag:s4], $0x10000  }
0x1e: {  	[sflag:s4] =	ssyncset.done $0x0  }
.LBB2_2:
0x1f: {  	[sflag:s4] =	ssyncadd.s32 $0xFFFF0000  }
0x20: {  	_ =	sfence.sel $0x180000  }
0x21: {  	[bflag:$0x0] =	sbarrier.arrive $0xFFFF  }
0x22: {  	p0 =	sne.s32 s0, $0x0;
	_ =	strace $0x90000047  }
0x23: {  	s0 =	sadd.s32 @!p0 $0x100000, s2;
	[bflag:$0x2] =	sbarrier.arrive $0xFFFF  }
0x24: {  	[sflag:s0] =	ssyncadd.tile.s32 @!p0 $0x1;
	_ =	shalt  }
.Lfunc_end2:
_tile_overlayer_lowered:
.L_overlay_start_2:
0x25: {  	(tag) =	ssettag $0x2  }
0x26: {  	s0 =	rddreg [dreg:$0x0];
	s2 =	stileid.u32  }
0x27: {  	s1 =	rddreg [dreg:$0x1];
	p0 =	sne.s32 s2, $0x0  }
0x28: {  	s3 =	rddreg [dreg:$0x2];
	[bflag:$0x3] =	sbarrier.arrive $0xFFFF;
	s2 =	simm.s32 @!p0 $0x1C02  }
0x29: {  	[timem:s3], [sflag:s2] =	dma.local @!p0 [hbm:s0], s1  }
0x2a: {  	s0 =	simm.s32 @!p0 $0x2  }
0x2b: {  	_ =	swait.ge @!p0 [sflag:s0], s1  }
0x2c: {  	s1 =	ssub.s32 @!p0 $0x0, s1;
	[sflag:s0] =	ssyncset.done @!p0 $0x0  }
0x2d: {  	[sflag:s0] =	ssyncadd.s32 @!p0 s1  }
0x2e: {  	[bflag:$0x3] =	sbarrier.arrive $0xFFFF  }
0x2f: {  	_ =	shalt  }

</sc_bundles>
